<compile_context>
chip_gen: v7x
topology: tpu7x:2x2x1
jax: 0.10.2.dev20260603
libtpu: 0.0.44.dev20260713+nightly
codegen_flags: <defaults>
</compile_context>

<pallas_src>
import functools

import jax
import jax.numpy as jnp
from jax import lax
from jax.experimental import pallas as pl
from jax.experimental.pallas import tpu as pltpu
from jax.experimental.pallas import tpu_sc as plsc

B, S, D = 1024, 200, 64
HH = 104
S2 = 2 * HH
N2 = B * S2
CW = 128
NC, NS = 2, 16
NW = NC * NS
PW = N2 // NW
CPW = PW // CW


@functools.cache
def _make_sc_gather():
    mesh = plsc.VectorSubcoreMesh(core_axis_name="c", subcore_axis_name="s")

    @functools.partial(
        pl.kernel,
        mesh=mesh,
        compiler_params=pltpu.CompilerParams(use_tc_tiling_on_sc=False),
        out_type=jax.ShapeDtypeStruct((N2, D), jnp.float32),
        scratch_types=[
            pltpu.VMEM((PW,), jnp.int32),
            pltpu.VMEM((CW, D), jnp.float32),
            pltpu.VMEM((CW, D), jnp.float32),
            pltpu.SemaphoreType.DMA,
            pltpu.SemaphoreType.DMA,
        ],
    )
    def sc_gather(table_hbm, idx_hbm, out_hbm, idx_v, buf0, buf1, sem0, sem1):
        wid = lax.axis_index("s") * NC + lax.axis_index("c")
        base = wid * PW
        pltpu.sync_copy(idx_hbm.at[pl.ds(base, PW)], idx_v)

        def body(jj, carry):
            j0 = 2 * jj
            c0 = pltpu.async_copy(
                table_hbm.at[idx_v.at[pl.ds(j0 * CW, CW)]], buf0, sem0)
            c1 = pltpu.async_copy(
                table_hbm.at[idx_v.at[pl.ds((j0 + 1) * CW, CW)]], buf1, sem1)
            c0.wait()
            pltpu.sync_copy(buf0, out_hbm.at[pl.ds(base + j0 * CW, CW)])
            c1.wait()
            pltpu.sync_copy(buf1, out_hbm.at[pl.ds(base + (j0 + 1) * CW, CW)])
            return carry

        lax.fori_loop(0, CPW // 2, body, 0)

    return sc_gather


BB = 128
BH = BB * HH


def _tc_body(g_ref, w_ref, b_ref, attn_ref, out_ref):
    g3 = g_ref[...].reshape(BB, HH, 2 * D)
    w2 = w_ref[...]
    bias = b_ref[0]
    y128 = g3 * w2[0][None, None, :]
    ye = jnp.sum(y128[:, :, :D], axis=2) + bias
    yo = jnp.sum(y128[:, :, D:], axis=2) + bias
    ye = jnp.tanh(ye)
    yo = jnp.tanh(yo)
    col = lax.broadcasted_iota(jnp.int32, (BB, HH), 1)
    yo = jnp.where(col >= S - HH, -1e30, yo)
    m = jnp.maximum(jnp.max(ye, axis=1, keepdims=True),
                    jnp.max(yo, axis=1, keepdims=True))
    elo = jnp.exp(ye - m)
    ehi = jnp.exp(yo - m)
    denom = (jnp.sum(elo, axis=1, keepdims=True)
             + jnp.sum(ehi, axis=1, keepdims=True))
    alo = elo / denom
    ahi = ehi / denom
    attn_ref[...] = jnp.concatenate([alo, ahi], axis=1)[:, :S]
    a128 = jnp.concatenate(
        [jnp.broadcast_to(alo[:, :, None], (BB, HH, D)),
         jnp.broadcast_to(ahi[:, :, None], (BB, HH, D))], axis=2)
    msum = jnp.sum(g3 * a128, axis=1)
    out_ref[...] = msum[:, :D] + msum[:, D:]


def _tc_fused(g2, w2, bias):
    return pl.pallas_call(
        _tc_body,
        grid=(B // BB,),
        in_specs=[
            pl.BlockSpec((BH, 2 * D), lambda i: (i, 0)),
            pl.BlockSpec((1, 2 * D), lambda i: (0, 0)),
            pl.BlockSpec(memory_space=pltpu.SMEM),
        ],
        out_specs=[
            pl.BlockSpec((BB, S), lambda i: (i, 0)),
            pl.BlockSpec((BB, D), lambda i: (i, 0)),
        ],
        out_shape=[
            jax.ShapeDtypeStruct((B, S), jnp.float32),
            jax.ShapeDtypeStruct((B, D), jnp.float32),
        ],
    )(g2, w2, bias)


def kernel(input, table, context_weight, context_bias):
    ids = input.astype(jnp.int32)
    dummy = jnp.arange(B * (S2 - S), dtype=jnp.int32).reshape(B, S2 - S)
    ids_pad = jnp.concatenate([ids, dummy], axis=1)
    order = jnp.stack([jnp.arange(HH), jnp.arange(HH) + HH], axis=1).reshape(S2)
    ids_perm = ids_pad[:, order].reshape(N2)
    g = _make_sc_gather()(table, ids_perm)
    g2 = g.reshape(B * HH, 2 * D)
    w2 = jnp.concatenate(
        [context_weight, context_weight], axis=0).reshape(1, 2 * D)
    attn, out = _tc_fused(g2, w2, context_bias)
    return out[None], attn

# --- scband reference (transcript-rebuilt; emitter-appended) ---
"""Pipeline reference for scband-word-att-net-36739150250080 (READ-ONLY COPY).

The authoritative reference and input builder live on the scoring server;
editing this copy changes nothing except your own understanding.
"""

import jax, jax.numpy as jnp
import numpy as np

VOCAB = 1000000   # dict_len (pretrained feature table rows)
DIM = 64          # word_feature_size
BATCH = 1024
SEQ = 200


def setup_inputs(seed: int = 0) -> dict:
    key = jax.random.key(seed)
    k1, k2, k3, k4 = jax.random.split(key, 4)
    # forward arg: word-id matrix [batch, seq_len]
    inp = jax.random.randint(k1, (BATCH, SEQ), 0, VOCAB).astype(jnp.int64)
    # frozen pretrained embedding table (lookup.weight, requires_grad=False)
    table = jax.random.normal(k2, (VOCAB, DIM), dtype=jnp.float32) * 0.05
    # context attention params (_create_weights: context_weight ~ N(1, 0.05), biases ~ N(0, 0.05))
    context_weight = 1.0 + jax.random.normal(k3, (DIM, 1), dtype=jnp.float32) * 0.05
    context_bias = jax.random.normal(k4, (1,), dtype=jnp.float32) * 0.05
    return {"input": inp, "table": table, "context_weight": context_weight, "context_bias": context_bias}


def reference(input, table, context_weight, context_bias):
    # input: [B, S] int ids.  forward: input = input.permute(1, 0) -> [S, B]
    x = input.T
    # f_output = self.lookup(input)  -> [S, B, D] gather from frozen table
    f_output = jnp.take(table, x, axis=0)
    # matrix_mul(f_output, context_weight, context_bias): per-step mm + bias + tanh, then squeeze
    proj = jnp.tanh(jnp.einsum('sbd,do->sbo', f_output, context_weight) + context_bias)  # [S, B, 1]
    output = jnp.squeeze(proj, -1).T  # .permute(1, 0) -> [B, S]
    # attn_score = softmax(output, dim=1)
    attn_score = jax.nn.softmax(output, axis=1)  # [B, S]
    # element_wise_mul(f_output, attn_score.permute(1,0)): broadcast multiply then sum over seq, keepdim
    attn_sb = attn_score.T  # [S, B]
    weighted = f_output * attn_sb[:, :, None]  # [S, B, D]
    out = jnp.sum(weighted, axis=0, keepdims=True)  # [1, B, D]
    return out, attn_score

if __name__ == "__main__":
    import jax
    _d = setup_inputs()
    print(jax.jit(kernel)(*tuple(_d.values())))

</pallas_src>

<mosaic_0001>
#map = affine_map<(d0, d1) -> (0, 0)>
#map1 = affine_map<(d0, d1) -> (0)>
module attributes {stable_mosaic.version = 14 : i64} {
  func.func @sc_gather(%arg0: i32, %arg1: i32, %arg2: memref<1000000x64xf32, #tpu.memory_space<hbm>>, %arg3: memref<212992xi32, #tpu.memory_space<hbm>>, %arg4: memref<212992x64xf32, #tpu.memory_space<hbm>>, %arg5: memref<6656xi32, #tpu.memory_space<vmem>>, %arg6: memref<128x64xf32, #tpu.memory_space<vmem>>, %arg7: memref<128x64xf32, #tpu.memory_space<vmem>>, %arg8: memref<!tpu.dma_semaphore, #tpu.memory_space<semaphore_mem>>, %arg9: memref<!tpu.dma_semaphore, #tpu.memory_space<semaphore_mem>>) attributes {dimension_semantics = [#tpu.dimension_semantics<core_parallel>, #tpu.dimension_semantics<subcore_parallel>], iteration_bounds = array<i64: 2, 16>, scalar_prefetch = 0 : i64, scratch_operands = 5 : i64, tpu.core_type = #tpu.core_type<sc_vector_subcore>, window_params = [{transform_indices = #map}, {transform_indices = #map1}, {transform_indices = #map}]} {
    %mul3A = arith.constant 2 : i32
    %mul3A_0 = arith.muli %arg1, %mul3A : i32
    %add3A = arith.addi %mul3A_0, %arg0 : i32
    %mul3A_1 = arith.constant 6656 : i32
    %mul3A_2 = arith.muli %add3A, %mul3A_1 : i32
    "tpu.region"() ({
      %run_scoped3A = tpu.sem_alloc : memref<!tpu.dma_semaphore, #tpu.memory_space<semaphore_mem>>
      %dma_start3A = tpu.memref_slice %arg3[%mul3A_2] : memref<212992xi32, #tpu.memory_space<hbm>> -> memref<6656xi32, #tpu.memory_space<hbm>>
      %dma_start3A_8 = tpu.memref_slice %arg3[%mul3A_2] : memref<212992xi32, #tpu.memory_space<hbm>> -> memref<6656xi32, #tpu.memory_space<hbm>>
      tpu.enqueue_dma source(%dma_start3A_8 : memref<6656xi32, #tpu.memory_space<hbm>>) target(%arg5 : memref<6656xi32, #tpu.memory_space<vmem>>) target_semaphore(%run_scoped3A : memref<!tpu.dma_semaphore, #tpu.memory_space<semaphore_mem>>)
      %dma_wait3A = tpu.memref_slice %arg3[%mul3A_2] : memref<212992xi32, #tpu.memory_space<hbm>> -> memref<6656xi32, #tpu.memory_space<hbm>>
      %dma_wait3A_9 = tpu.memref_slice %arg3[%mul3A_2] : memref<212992xi32, #tpu.memory_space<hbm>> -> memref<6656xi32, #tpu.memory_space<hbm>>
      tpu.wait_dma2 semaphore(%run_scoped3A : memref<!tpu.dma_semaphore, #tpu.memory_space<semaphore_mem>>) src(%dma_wait3A_9 : memref<6656xi32, #tpu.memory_space<hbm>>) dst(%arg5 : memref<6656xi32, #tpu.memory_space<vmem>>)
      tpu.yield
    }) : () -> ()
    %scan3A = arith.constant 0 : i32
    %scan3A_3 = arith.constant 0 : i32
    %scan3A_4 = arith.constant 26 : i32
    %scan3A_5 = arith.addi %scan3A_3, %scan3A_4 : i32
    %scan3A_6 = arith.constant 1 : i32
    scf.for %scan3A_8 = %scan3A_3 to %scan3A_5 step %scan3A_6  : i32 {
      %mul3A_9 = arith.constant 2 : i32
      %mul3A_10 = arith.muli %mul3A_9, %scan3A_8 : i32
      %mul3A_11 = arith.constant 128 : i32
      %mul3A_12 = arith.muli %mul3A_10, %mul3A_11 : i32
      %dma_start3A = tpu.memref_slice %arg5[%mul3A_12] : memref<6656xi32, #tpu.memory_space<vmem>> -> memref<128xi32, #tpu.memory_space<vmem>>
      %dma_start3A_13 = arith.constant 0 : i32
      %dma_start3A_14 = arith.constant 0 : i32
      %dma_start3A_15 = tpu.memref_slice %arg2[%dma_start3A_13, %dma_start3A_14] : memref<1000000x64xf32, #tpu.memory_space<hbm>> -> memref<1000000x64xf32, #tpu.memory_space<hbm>>
      tpu.enqueue_indirect_dma source(%dma_start3A_15 : memref<1000000x64xf32, #tpu.memory_space<hbm>>) target(%arg6 : memref<128x64xf32, #tpu.memory_space<vmem>>) offsets(%dma_start3A : memref<128xi32, #tpu.memory_space<vmem>>) semaphore(%arg8 : memref<!tpu.dma_semaphore, #tpu.memory_space<semaphore_mem>>)
      %add3A_16 = arith.constant 1 : i32
      %add3A_17 = arith.addi %mul3A_10, %add3A_16 : i32
      %mul3A_18 = arith.constant 128 : i32
      %mul3A_19 = arith.muli %add3A_17, %mul3A_18 : i32
      %dma_start3A_20 = tpu.memref_slice %arg5[%mul3A_19] : memref<6656xi32, #tpu.memory_space<vmem>> -> memref<128xi32, #tpu.memory_space<vmem>>
      %dma_start3A_21 = arith.constant 0 : i32
      %dma_start3A_22 = arith.constant 0 : i32
      %dma_start3A_23 = tpu.memref_slice %arg2[%dma_start3A_21, %dma_start3A_22] : memref<1000000x64xf32, #tpu.memory_space<hbm>> -> memref<1000000x64xf32, #tpu.memory_space<hbm>>
      tpu.enqueue_indirect_dma source(%dma_start3A_23 : memref<1000000x64xf32, #tpu.memory_space<hbm>>) target(%arg7 : memref<128x64xf32, #tpu.memory_space<vmem>>) offsets(%dma_start3A_20 : memref<128xi32, #tpu.memory_space<vmem>>) semaphore(%arg9 : memref<!tpu.dma_semaphore, #tpu.memory_space<semaphore_mem>>)
      %dma_wait3A = tpu.memref_slice %arg5[%mul3A_12] : memref<6656xi32, #tpu.memory_space<vmem>> -> memref<128xi32, #tpu.memory_space<vmem>>
      %dma_wait3A_24 = arith.constant 0 : i32
      %dma_wait3A_25 = arith.constant 0 : i32
      %dma_wait3A_26 = tpu.memref_slice %arg2[%dma_wait3A_24, %dma_wait3A_25] : memref<1000000x64xf32, #tpu.memory_space<hbm>> -> memref<1000000x64xf32, #tpu.memory_space<hbm>>
      tpu.wait_indirect_dma semaphore(%arg8 : memref<!tpu.dma_semaphore, #tpu.memory_space<semaphore_mem>>) src(%dma_wait3A_26 : memref<1000000x64xf32, #tpu.memory_space<hbm>>) dst(%arg6 : memref<128x64xf32, #tpu.memory_space<vmem>>)
      %mul3A_27 = arith.constant 128 : i32
      %mul3A_28 = arith.muli %mul3A_10, %mul3A_27 : i32
      %add3A_29 = arith.addi %mul3A_2, %mul3A_28 : i32
      "tpu.region"() ({
        %run_scoped3A = tpu.sem_alloc : memref<!tpu.dma_semaphore, #tpu.memory_space<semaphore_mem>>
        %dma_start3A_39 = arith.constant 0 : i32
        %dma_start3A_40 = tpu.memref_slice %arg4[%add3A_29, %dma_start3A_39] : memref<212992x64xf32, #tpu.memory_space<hbm>> -> memref<128x64xf32, #tpu.memory_space<hbm>>
        %dma_start3A_41 = arith.constant 0 : i32
        %dma_start3A_42 = tpu.memref_slice %arg4[%add3A_29, %dma_start3A_41] : memref<212992x64xf32, #tpu.memory_space<hbm>> -> memref<128x64xf32, #tpu.memory_space<hbm>>
        tpu.enqueue_dma source(%arg6 : memref<128x64xf32, #tpu.memory_space<vmem>>) target(%dma_start3A_42 : memref<128x64xf32, #tpu.memory_space<hbm>>) target_semaphore(%run_scoped3A : memref<!tpu.dma_semaphore, #tpu.memory_space<semaphore_mem>>)
        %dma_wait3A_43 = arith.constant 0 : i32
        %dma_wait3A_44 = tpu.memref_slice %arg4[%add3A_29, %dma_wait3A_43] : memref<212992x64xf32, #tpu.memory_space<hbm>> -> memref<128x64xf32, #tpu.memory_space<hbm>>
        %dma_wait3A_45 = arith.constant 0 : i32
        %dma_wait3A_46 = tpu.memref_slice %arg4[%add3A_29, %dma_wait3A_45] : memref<212992x64xf32, #tpu.memory_space<hbm>> -> memref<128x64xf32, #tpu.memory_space<hbm>>
        tpu.wait_dma2 semaphore(%run_scoped3A : memref<!tpu.dma_semaphore, #tpu.memory_space<semaphore_mem>>) src(%arg6 : memref<128x64xf32, #tpu.memory_space<vmem>>) dst(%dma_wait3A_46 : memref<128x64xf32, #tpu.memory_space<hbm>>)
        tpu.yield
      }) : () -> ()
      %dma_wait3A_30 = tpu.memref_slice %arg5[%mul3A_19] : memref<6656xi32, #tpu.memory_space<vmem>> -> memref<128xi32, #tpu.memory_space<vmem>>
      %dma_wait3A_31 = arith.constant 0 : i32
      %dma_wait3A_32 = arith.constant 0 : i32
      %dma_wait3A_33 = tpu.memref_slice %arg2[%dma_wait3A_31, %dma_wait3A_32] : memref<1000000x64xf32, #tpu.memory_space<hbm>> -> memref<1000000x64xf32, #tpu.memory_space<hbm>>
      tpu.wait_indirect_dma semaphore(%arg9 : memref<!tpu.dma_semaphore, #tpu.memory_space<semaphore_mem>>) src(%dma_wait3A_33 : memref<1000000x64xf32, #tpu.memory_space<hbm>>) dst(%arg7 : memref<128x64xf32, #tpu.memory_space<vmem>>)
      %add3A_34 = arith.constant 1 : i32
      %add3A_35 = arith.addi %mul3A_10, %add3A_34 : i32
      %mul3A_36 = arith.constant 128 : i32
      %mul3A_37 = arith.muli %add3A_35, %mul3A_36 : i32
      %add3A_38 = arith.addi %mul3A_2, %mul3A_37 : i32
      "tpu.region"() ({
        %run_scoped3A = tpu.sem_alloc : memref<!tpu.dma_semaphore, #tpu.memory_space<semaphore_mem>>
        %dma_start3A_39 = arith.constant 0 : i32
        %dma_start3A_40 = tpu.memref_slice %arg4[%add3A_38, %dma_start3A_39] : memref<212992x64xf32, #tpu.memory_space<hbm>> -> memref<128x64xf32, #tpu.memory_space<hbm>>
        %dma_start3A_41 = arith.constant 0 : i32
        %dma_start3A_42 = tpu.memref_slice %arg4[%add3A_38, %dma_start3A_41] : memref<212992x64xf32, #tpu.memory_space<hbm>> -> memref<128x64xf32, #tpu.memory_space<hbm>>
        tpu.enqueue_dma source(%arg7 : memref<128x64xf32, #tpu.memory_space<vmem>>) target(%dma_start3A_42 : memref<128x64xf32, #tpu.memory_space<hbm>>) target_semaphore(%run_scoped3A : memref<!tpu.dma_semaphore, #tpu.memory_space<semaphore_mem>>)
        %dma_wait3A_43 = arith.constant 0 : i32
        %dma_wait3A_44 = tpu.memref_slice %arg4[%add3A_38, %dma_wait3A_43] : memref<212992x64xf32, #tpu.memory_space<hbm>> -> memref<128x64xf32, #tpu.memory_space<hbm>>
        %dma_wait3A_45 = arith.constant 0 : i32
        %dma_wait3A_46 = tpu.memref_slice %arg4[%add3A_38, %dma_wait3A_45] : memref<212992x64xf32, #tpu.memory_space<hbm>> -> memref<128x64xf32, #tpu.memory_space<hbm>>
        tpu.wait_dma2 semaphore(%run_scoped3A : memref<!tpu.dma_semaphore, #tpu.memory_space<semaphore_mem>>) src(%arg7 : memref<128x64xf32, #tpu.memory_space<vmem>>) dst(%dma_wait3A_46 : memref<128x64xf32, #tpu.memory_space<hbm>>)
        tpu.yield
      }) : () -> ()
    }
    %scan3A_7 = arith.constant 26 : i32
    return
  }
}

module attributes {stable_mosaic.version = 14 : i64} {
  func.func @_tc_body(%arg0: i32, %arg1: memref<13312x128xf32, #tpu.memory_space<vmem>>, %arg2: memref<1x128xf32, #tpu.memory_space<vmem>>, %arg3: memref<1xf32, #tpu.memory_space<smem>>, %arg4: memref<128x200xf32, #tpu.memory_space<vmem>>, %arg5: memref<128x64xf32, #tpu.memory_space<vmem>>) attributes {dimension_semantics = [#tpu.dimension_semantics<arbitrary>], iteration_bounds = array<i64: 8>, scalar_prefetch = 0 : i64, scratch_operands = 0 : i64, tpu.core_type = #tpu.core_type<tc>, window_params = [{transform_indices = @transform_0, window_bounds = array<i64: 13312, 128>}, {pipeline_mode = #tpu.pipeline_mode<synchronous>, transform_indices = @transform_1, window_bounds = array<i64: 1, 128>}, {transform_indices = @transform_2, window_bounds = array<i64: 1>}, {transform_indices = @transform_3, window_bounds = array<i64: 128, 200>}, {transform_indices = @transform_4, window_bounds = array<i64: 128, 64>}]} {
    %get3A = arith.constant 0 : index
    %get3A_0 = arith.constant 0 : index
    %get3A_1 = vector.load %arg1[%get3A, %get3A_0] : memref<13312x128xf32, #tpu.memory_space<vmem>>, vector<13312x128xf32>
    %reshape3A = vector.shape_cast %get3A_1 : vector<13312x128xf32> to vector<128x104x128xf32>
    %get3A_2 = arith.constant 0 : index
    %get3A_3 = arith.constant 0 : index
    %get3A_4 = vector.load %arg2[%get3A_2, %get3A_3] : memref<1x128xf32, #tpu.memory_space<vmem>>, vector<1x128xf32>
    %get3A_5 = arith.constant 0 : index
    %get3A_6 = memref.load %arg3[%get3A_5] : memref<1xf32, #tpu.memory_space<smem>>
    %squeeze3A = vector.shape_cast %get3A_4 : vector<1x128xf32> to vector<128xf32>
    %broadcast_in_dim3A = vector.shape_cast %squeeze3A : vector<128xf32> to vector<1x1x128xf32>
    %mul3A = vector.broadcast %broadcast_in_dim3A : vector<1x1x128xf32> to vector<128x104x128xf32>
    %mul3A_7 = arith.mulf %reshape3A, %mul3A : vector<128x104x128xf32>
    %slice3A = vector.extract_strided_slice %mul3A_7 {offsets = [0, 0, 0], sizes = [128, 104, 64], strides = [1, 1, 1]} : vector<128x104x128xf32> to vector<128x104x64xf32>
    %reduce_sum3A = arith.constant dense<0.000000e+00> : vector<128x104xf32>
    %reduce_sum3A_8 = vector.multi_reduction <add>, %slice3A, %reduce_sum3A [2] : vector<128x104x64xf32> to vector<128x104xf32>
    %add3A = vector.broadcast %get3A_6 : f32 to vector<128x104xf32>
    %add3A_9 = arith.addf %reduce_sum3A_8, %add3A : vector<128x104xf32>
    %slice3A_10 = vector.extract_strided_slice %mul3A_7 {offsets = [0, 0, 64], sizes = [128, 104, 64], strides = [1, 1, 1]} : vector<128x104x128xf32> to vector<128x104x64xf32>
    %reduce_sum3A_11 = arith.constant dense<0.000000e+00> : vector<128x104xf32>
    %reduce_sum3A_12 = vector.multi_reduction <add>, %slice3A_10, %reduce_sum3A_11 [2] : vector<128x104x64xf32> to vector<128x104xf32>
    %add3A_13 = vector.broadcast %get3A_6 : f32 to vector<128x104xf32>
    %add3A_14 = arith.addf %reduce_sum3A_12, %add3A_13 : vector<128x104xf32>
    %tanh3A = math.tanh %add3A_9 : vector<128x104xf32>
    %tanh3A_15 = math.tanh %add3A_14 : vector<128x104xf32>
    %iota3A = tpu.iota {dimensions = array<i32: 1>} : vector<128x104xi32>
    %ge3A = arith.constant 96 : i32
    %ge3A_16 = vector.broadcast %ge3A : i32 to vector<128x104xi32>
    %ge3A_17 = arith.cmpi sge, %iota3A, %ge3A_16 : vector<128x104xi32>
    %jit3A = arith.constant -1.000000e+30 : f32
    %broadcast_in_dim3A_18 = vector.broadcast %jit3A : f32 to vector<128x104xf32>
    %select_n3A = arith.select %ge3A_17, %broadcast_in_dim3A_18, %tanh3A_15 : vector<128x104xi1>, vector<128x104xf32>
    %reduce_max3A = arith.constant dense<0xFF800000> : vector<128xf32>
    %reduce_max3A_19 = vector.multi_reduction <maximumf>, %tanh3A, %reduce_max3A [1] : vector<128x104xf32> to vector<128xf32>
    %broadcast_in_dim3A_20 = vector.shape_cast %reduce_max3A_19 : vector<128xf32> to vector<128x1xf32>
    %reduce_max3A_21 = arith.constant dense<0xFF800000> : vector<128xf32>
    %reduce_max3A_22 = vector.multi_reduction <maximumf>, %select_n3A, %reduce_max3A_21 [1] : vector<128x104xf32> to vector<128xf32>
    %broadcast_in_dim3A_23 = vector.shape_cast %reduce_max3A_22 : vector<128xf32> to vector<128x1xf32>
    %max3A = arith.maximumf %broadcast_in_dim3A_20, %broadcast_in_dim3A_23 : vector<128x1xf32>
    %sub3A = vector.broadcast %max3A : vector<128x1xf32> to vector<128x104xf32>
    %sub3A_24 = arith.subf %tanh3A, %sub3A : vector<128x104xf32>
    %exp3A = math.exp %sub3A_24 : vector<128x104xf32>
    %sub3A_25 = vector.broadcast %max3A : vector<128x1xf32> to vector<128x104xf32>
    %sub3A_26 = arith.subf %select_n3A, %sub3A_25 : vector<128x104xf32>
    %exp3A_27 = math.exp %sub3A_26 : vector<128x104xf32>
    %reduce_sum3A_28 = arith.constant dense<0.000000e+00> : vector<128xf32>
    %reduce_sum3A_29 = vector.multi_reduction <add>, %exp3A, %reduce_sum3A_28 [1] : vector<128x104xf32> to vector<128xf32>
    %broadcast_in_dim3A_30 = vector.shape_cast %reduce_sum3A_29 : vector<128xf32> to vector<128x1xf32>
    %reduce_sum3A_31 = arith.constant dense<0.000000e+00> : vector<128xf32>
    %reduce_sum3A_32 = vector.multi_reduction <add>, %exp3A_27, %reduce_sum3A_31 [1] : vector<128x104xf32> to vector<128xf32>
    %broadcast_in_dim3A_33 = vector.shape_cast %reduce_sum3A_32 : vector<128xf32> to vector<128x1xf32>
    %add3A_34 = arith.addf %broadcast_in_dim3A_30, %broadcast_in_dim3A_33 : vector<128x1xf32>
    %div3A = vector.broadcast %add3A_34 : vector<128x1xf32> to vector<128x104xf32>
    %div3A_35 = arith.divf %exp3A, %div3A : vector<128x104xf32>
    %div3A_36 = vector.broadcast %add3A_34 : vector<128x1xf32> to vector<128x104xf32>
    %div3A_37 = arith.divf %exp3A_27, %div3A_36 : vector<128x104xf32>
    %concatenate3A = tpu.concatenate %div3A_35, %div3A_37 in 1 : vector<128x104xf32>, vector<128x104xf32> -> vector<128x208xf32>
    %slice3A_38 = vector.extract_strided_slice %concatenate3A {offsets = [0, 0], sizes = [128, 200], strides = [1, 1]} : vector<128x208xf32> to vector<128x200xf32>
    %swap3A = arith.constant 0 : index
    %swap3A_39 = arith.constant 0 : index
    %swap3A_40 = vector.load %arg4[%swap3A, %swap3A_39] : memref<128x200xf32, #tpu.memory_space<vmem>>, vector<128x200xf32>
    tpu.vector_store %arg4[%swap3A, %swap3A_39], %slice3A_38 {strides = array<i32>} : memref<128x200xf32, #tpu.memory_space<vmem>>, vector<128x200xf32>,
    %broadcast_in_dim3A_41 = vector.shape_cast %div3A_35 : vector<128x104xf32> to vector<128x104x1xf32>
    %broadcast_in_dim3A_42 = vector.shape_cast %broadcast_in_dim3A_41 : vector<128x104x1xf32> to vector<128x104x1xf32>
    %broadcast_in_dim3A_43 = vector.broadcast %broadcast_in_dim3A_42 : vector<128x104x1xf32> to vector<128x104x64xf32>
    %broadcast_in_dim3A_44 = vector.shape_cast %div3A_37 : vector<128x104xf32> to vector<128x104x1xf32>
    %broadcast_in_dim3A_45 = vector.shape_cast %broadcast_in_dim3A_44 : vector<128x104x1xf32> to vector<128x104x1xf32>
    %broadcast_in_dim3A_46 = vector.broadcast %broadcast_in_dim3A_45 : vector<128x104x1xf32> to vector<128x104x64xf32>
    %concatenate3A_47 = tpu.concatenate %broadcast_in_dim3A_43, %broadcast_in_dim3A_46 in 2 : vector<128x104x64xf32>, vector<128x104x64xf32> -> vector<128x104x128xf32>
    %mul3A_48 = arith.mulf %reshape3A, %concatenate3A_47 : vector<128x104x128xf32>
    %reduce_sum3A_49 = arith.constant dense<0.000000e+00> : vector<128x128xf32>
    %reduce_sum3A_50 = vector.multi_reduction <add>, %mul3A_48, %reduce_sum3A_49 [1] : vector<128x104x128xf32> to vector<128x128xf32>
    %slice3A_51 = vector.extract_strided_slice %reduce_sum3A_50 {offsets = [0, 0], sizes = [128, 64], strides = [1, 1]} : vector<128x128xf32> to vector<128x64xf32>
    %slice3A_52 = vector.extract_strided_slice %reduce_sum3A_50 {offsets = [0, 64], sizes = [128, 64], strides = [1, 1]} : vector<128x128xf32> to vector<128x64xf32>
    %add3A_53 = arith.addf %slice3A_51, %slice3A_52 : vector<128x64xf32>
    %swap3A_54 = arith.constant 0 : index
    %swap3A_55 = arith.constant 0 : index
    %swap3A_56 = vector.load %arg5[%swap3A_54, %swap3A_55] : memref<128x64xf32, #tpu.memory_space<vmem>>, vector<128x64xf32>
    tpu.vector_store %arg5[%swap3A_54, %swap3A_55], %add3A_53 {strides = array<i32>} : memref<128x64xf32, #tpu.memory_space<vmem>>, vector<128x64xf32>,
    return
  }
  func.func @transform_0(%arg0: i32) -> (i32, i32) {
    %c0_i32 = arith.constant 0 : i32
    %c0_i32_0 = arith.constant 0 : i32
    return %arg0, %c0_i32 : i32, i32
  }
  func.func @transform_1(%arg0: i32) -> (i32, i32) {
    %c0_i32 = arith.constant 0 : i32
    %c0_i32_0 = arith.constant 0 : i32
    %c0_i32_1 = arith.constant 0 : i32
    return %c0_i32, %c0_i32_0 : i32, i32
  }
  func.func @transform_2(%arg0: i32) -> i32 {
    %c0_i32 = arith.constant 0 : i32
    %c0_i32_0 = arith.constant 0 : i32
    return %c0_i32 : i32
  }
  func.func @transform_3(%arg0: i32) -> (i32, i32) {
    %c0_i32 = arith.constant 0 : i32
    %c0_i32_0 = arith.constant 0 : i32
    return %arg0, %c0_i32 : i32, i32
  }
  func.func @transform_4(%arg0: i32) -> (i32, i32) {
    %c0_i32 = arith.constant 0 : i32
    %c0_i32_0 = arith.constant 0 : i32
    return %arg0, %c0_i32 : i32, i32
  }
}

</mosaic_0001>

<sc_bundles>
// kernel: kernel.4.cloned.1.call-start
scs
__scs_entry_jumppad:
0x0: {  	(pc) =	sbr.rel $0x88, $3  }
0x1: {  	(tag) =	ssettag $0x0;
	lr =	simm.s32 $0x1  }
0x2: {  	[smem:$0x3F9D] =	sst lr;
	_ =	strace $0xD0000000  }
0x3: {  	_ = 	snop  }
0x4: {  	_ = 	snop  }
0x5: {  	_ = 	snop  }
0x6: {  	_ = 	snop  }
0x7: {  	_ = 	snop  }
__scs_overlays_trampoline_lowered:
0x8: {  	[smem:$0x3FAC] =	sst s0  }
0x9: {  	[smem:$0x3FAD] =	sst s1  }
0xa: {  	[smem:$0x3FAE] =	sst s2  }
0xb: {  	[smem:$0x3FAF] =	sst s3  }
0xc: {  	[smem:$0x3FB0] =	sst s4  }
0xd: {  	[smem:$0x3FB1] =	sst s5  }
0xe: {  	[smem:$0x3FB2] =	sst s6  }
0xf: {  	[smem:$0x3FB3] =	sst s7  }
0x10: {  	[smem:$0x3FB4] =	sst s8  }
0x11: {  	[smem:$0x3FB5] =	sst s9;
	s0 =	simm.s32 @!p0 $0x0  }
0x12: {  	s1 =	sld [smem:$0x3F9B];
	s0 =	simm.s32 @p0 $0x1  }
0x13: {  	[smem:$0x3FB6] =	sst s0;
	s0 =	simm.s32 @!p1 $0x0  }
0x14: {  	s2 =	sld [smem:$0x3F9A];
	s0 =	simm.s32 @p1 $0x1  }
0x15: {  	[smem:$0x3FB7] =	sst s0;
	s0 =	simm.s32 @!p2 $0x0  }
0x16: {  	s3 =	sld [smem:$0x3FDB];
	s0 =	simm.s32 @p2 $0x1  }
0x17: {  	s4 =	simm.s32 $0x1BF5;
	[smem:$0x3FB9] =	sst s0  }
0x18: {  	s0 =	sld [smem:$0x3F9C];
	_ =	swait.ge [sflag:s4], $0x0  }
0x19: {  	s7 =	sld [smem:$0x3F9D]  }
0x1a: {  	s8 =	sadd.s32 $0xFFFFE003, lr  }
0x1b: {  	s9 =	sadd.s32 $0xFFFFFEF7, lr;
	s5 =	simm.s32 $0xFFFFFFFF;
	p2 =	slt.u32 s8, $0xFFFFF086  }
0x1c: {  	p1 =	slt.u32 s9, $0xF7A;
	s5 =	simm.s32 @!p2 $0x0  }
0x1d: {  	s5 =	simm.s32 @p1 $0x1;
	p0 =	seq.s32 s7, s2  }
0x1e: {  	s7 =	smul.u32 @!p0 $0xF7A, s2;
	p2 =	seq.s32 @!p0 s5, $0x0  }
0x1f: {  	s9 =	smul.u32 $0xF7A, s1;
	s8 =	simm.s32 @!p0 $0x1BF5;
	p2 =	por !p2, p0  }
0x20: {  	[sflag:s8] =	ssyncset.s32 @!p0 $0xFFFFF086;
	s6 =	sadd.s32 @!p0 s3, s7;
	s7 =	simm.s32 @!p0 $0x108  }
0x21: {  	s3 =	sadd.s32 s3, s9;
	s6 =	sadd.s32 @!p0 $0x88, s6;
	s7 =	simm.s32 @p2 $0x1082  }
0x22: {  	[simem:s7], [sflag:s8] =	dma.local @!p0 [hbm:s6], $0xF7A  }
0x23: {  	s9 =	sor.u32 $0xD0000000, s2;
	s6 =	simm.s32 $0x108;
	_ =	swait.ge @!p0 [sflag:s8], $0x0  }
0x24: {  	s3 =	sadd.s32 $0x88, s3;
	s6 =	simm.s32 @!p1 $0x1082;
	[sflag:s4] =	ssyncset.s32 $0xFFFFF086  }
0x25: {  	[simem:s6], [sflag:s4] =	dma.local [hbm:s3], $0xF7A  }
0x26: {  	[smem:$0x3F9D] =	sst s1;
	(tag) =	ssettag s2;
	_ =	strace s9  }
0x27: {  	s1 =	sld [smem:$0x3FAD]  }
0x28: {  	s2 =	sld [smem:$0x3FAE]  }
0x29: {  	s4 =	sld [smem:$0x3FB0]  }
0x2a: {  	p0 =	seq.s32 s5, $0x0;
	s5 =	sld [smem:$0x3FB1]  }
0x2b: {  	s6 =	sld [smem:$0x3FB2]  }
0x2c: {  	s7 =	sld [smem:$0x3FB3]  }
0x2d: {  	s3 =	simm.s32 $0x108;
	s8 =	sld [smem:$0x3FB4]  }
0x2e: {  	s3 =	simm.s32 @!p0 $0x1082;
	s9 =	sld [smem:$0x3FB5]  }
0x2f: {  	lr =	sadd.s32 s0, s3;
	s0 =	sld [smem:$0x3FAC]  }
0x30: {  	s3 =	sld [smem:$0x3FAF]  }
0x31: {  	[smem:$0x3FB8] =	sst s10  }
0x32: {  	s10 =	sld [smem:$0x3FB6];
	_ =	sdelay $0x3  }
0x33: {  	p0 =	seq.s32 s10, $0x1;
	s10 =	sld [smem:$0x3FB8];
	_ =	sdelay $0x3  }
0x34: {  	[smem:$0x3FB8] =	sst s10  }
0x35: {  	s10 =	sld [smem:$0x3FB7];
	_ =	sdelay $0x3  }
0x36: {  	p1 =	seq.s32 s10, $0x1;
	s10 =	sld [smem:$0x3FB8];
	_ =	sdelay $0x3  }
0x37: {  	[smem:$0x3FB8] =	sst s10  }
0x38: {  	s10 =	sld [smem:$0x3FB9]  }
0x39: {  	_ = 	snop;
	(pc) =	sbr.ind lr, $3  }
0x3a: {  	_ = 	snop  }
0x3b: {  	_ = 	snop  }
0x3c: {  	p2 =	seq.s32 s10, $0x1;
	s10 =	sld [smem:$0x3FB8]  }
0x3d: {  	_ =	shalt  }
0x3e: {  	_ =	shalt  }
0x3f: {  	_ =	shalt  }
0x40: {  	_ =	shalt  }
0x41: {  	_ =	shalt  }
0x42: {  	_ =	shalt  }
0x43: {  	_ =	shalt  }
0x44: {  	_ =	shalt  }
0x45: {  	_ =	shalt  }
0x46: {  	_ =	shalt  }
0x47: {  	_ =	shalt  }
0x48: {  	_ =	shalt  }
0x49: {  	_ =	shalt  }
0x4a: {  	_ =	shalt  }
0x4b: {  	_ =	shalt  }
0x4c: {  	_ =	shalt  }
0x4d: {  	_ =	shalt  }
0x4e: {  	_ =	shalt  }
0x4f: {  	_ =	shalt  }
0x50: {  	_ =	shalt  }
0x51: {  	_ =	shalt  }
0x52: {  	_ =	shalt  }
0x53: {  	_ =	shalt  }
0x54: {  	_ =	shalt  }
0x55: {  	_ =	shalt  }
0x56: {  	_ =	shalt  }
0x57: {  	_ =	shalt  }
0x58: {  	_ =	shalt  }
0x59: {  	_ =	shalt  }
0x5a: {  	_ =	shalt  }
0x5b: {  	_ =	shalt  }
0x5c: {  	_ =	shalt  }
0x5d: {  	_ =	shalt  }
0x5e: {  	_ =	shalt  }
0x5f: {  	_ =	shalt  }
0x60: {  	_ =	shalt  }
0x61: {  	_ =	shalt  }
0x62: {  	_ =	shalt  }
0x63: {  	_ =	shalt  }
0x64: {  	_ =	shalt  }
0x65: {  	_ =	shalt  }
0x66: {  	_ =	shalt  }
0x67: {  	_ =	shalt  }
0x68: {  	_ =	shalt  }
0x69: {  	_ =	shalt  }
0x6a: {  	_ =	shalt  }
0x6b: {  	_ =	shalt  }
0x6c: {  	_ =	shalt  }
0x6d: {  	_ =	shalt  }
0x6e: {  	_ =	shalt  }
0x6f: {  	_ =	shalt  }
0x70: {  	_ =	shalt  }
0x71: {  	_ =	shalt  }
0x72: {  	_ =	shalt  }
0x73: {  	_ =	shalt  }
0x74: {  	_ =	shalt  }
0x75: {  	_ =	shalt  }
0x76: {  	_ =	shalt  }
0x77: {  	_ =	shalt  }
0x78: {  	_ =	shalt  }
0x79: {  	_ =	shalt  }
0x7a: {  	_ =	shalt  }
0x7b: {  	_ =	shalt  }
0x7c: {  	_ =	shalt  }
0x7d: {  	_ =	shalt  }
0x7e: {  	_ =	shalt  }
0x7f: {  	_ =	shalt  }
0x80: {  	_ =	shalt  }
0x81: {  	_ =	shalt  }
0x82: {  	_ =	shalt  }
0x83: {  	_ =	shalt  }
0x84: {  	_ =	shalt  }
0x85: {  	_ =	shalt  }
0x86: {  	_ =	shalt  }
0x87: {  	_ =	shalt  }
.Lfunc_end0:
.L_simem_size_0:
called_computation_lowered:
.L_overlay_start_0:
0x88: {  	s2 =	sld [smem:$0x3FD9]  }
0x89: {  	s3 =	sld [smem:$0x3FFE];
	_ =	sdelay $0x1  }
0x8a: {  	s1 =	srdreg.scid  }
0x8b: {  	s0 =	sand.u32 $0x1, s1  }
0x8c: {  	s16 =	sshll.u32 s0, $0xA;
	s2 =	sadd.s32 s3, s2  }
0x8d: {  	s2 =	sadd.s32 s2, s16  }
0x8e: {  	[smem:$0x3FC4] =	sst s2  }
0x8f: {  	_ = 	snop  }
0x90: {  	(tm) =	ssettm $0x1  }
0x91: {  	s17 =	sld [smem:$0x3FFB];
	_ =	sdelay $0x3  }
0x92: {  	_ =	strace s17  }
0x93: {  	s2 =	sld [smem:$0x3FFC];
	_ =	sdelay $0x3  }
0x94: {  	_ =	strace s2  }
0x95: {  	s2 =	sld [smem:$0x3FFD];
	_ =	sdelay $0x3  }
0x96: {  	_ =	strace s2  }
0x97: {  	_ =	strace $0x8FFFFFFF  }
0x98: {  	s18 =	sld [smem:$0x3FDB];
	_ =	sdelay $0x1  }
0x99: {  	s19 =	simm.s32 $_scs_section_size  }
0x9a: {  	s4 =	simm.s32 $_size__tile_overlayer_lowered;
	s5 =	simm.s32 $_tile_overlayer_lowered  }
0x9b: {  	s22 =	simm.s32 $0x1BFF;
	s21 =	sshll.u32 s5, $0x1;
	s2 =	sadd.s32 s19, s18  }
0x9c: {  	s6 =	simm.s32 $0x0;
	s20 =	sshll.u32 s4, $0x1;
	s4 =	sadd.s32 s21, s2  }
0x9d: {  	[timem:s6], [sflag:s22] =	dma.local [hbm:s4], s20  }
0x9e: {  	_ =	swait.ge [sflag:s22], s20  }
0x9f: {  	s3 =	ssub.s32 $0x0, s20;
	[sflag:s22] =	ssyncset.done $0x0  }
0xa0: {  	[sflag:s22] =	ssyncadd.s32 s3;
	_ =	sdelay $0x1  }
0xa1: {  	s23 =	simm.s32 $0x1B8B  }
0xa2: {  	_ =	swait.ge [sflag:s23], $0x1  }
0xa3: {  	[sflag:s23] =	ssyncset.done $0x0  }
0xa4: {  	s25 =	simm.s32 $0x1B8E;
	s24 =	sld [smem:$0x3FFE];
	[sflag:s23] =	ssyncadd.s32 $0xFFFFFFFF  }
0xa5: {  	s26 =	simm.s32 $execute0_lowered;
	[smem:$0x3FD2] =	sst s25  }
0xa6: {  	s4 =	sshll.u32 s26, $0x1;
	_ =	strace $0x80000046;
	[dreg:$0x1] =	wrdreg $0xFFFFFFFF  }
0xa7: {  	s28 =	simm.s32 $_size_execute0_lowered;
	s2 =	sadd.s32 s2, s4;
	[dreg:$0x0] =	wrdreg $0x0  }
0xa8: {  	s4 =	sshll.u32 s28, $0x1;
	[dreg:$0x2] =	wrdreg s2  }
0xa9: {  	[dreg:$0x3] =	wrdreg s4  }
0xaa: {  	[dreg:$0x4] =	wrdreg $0xC0  }
0xab: {  	_ =	task [dreg:s6], $0x5FFFF  }
0xac: {  	[dreg:$0x1] =	wrdreg $0xFFFFFFFF  }
0xad: {  	[dreg:$0x0] =	wrdreg $0x60  }
0xae: {  	[dreg:$0x2] =	wrdreg s24  }
0xaf: {  	[dreg:$0x3] =	wrdreg $0x9  }
0xb0: {  	_ =	task.clear_ibuf [dreg:s6], $0x4FFFF;
	_ =	strace $0x90000046  }
0xb1: {  	s29 =	simm.s32 $0x9;
	_ =	strace $0x80000048  }
0xb2: {  	_ =	swait.ge [sflag:s29], $0x1  }
0xb3: {  	[sflag:s29] =	ssyncadd.s32 $0xFFFFFFFF  }
0xb4: {  	_ =	strace $0x90000048  }
0xb5: {  	_ =	sfence  }
0xb6: {  	s30 =	sld [smem:$0x0];
	_ =	sdelay $0x2  }
0xb7: {  	s31 =	sshll.u32 s1, $0xD;
	s1 =	sshrl.u32 s1, $0x2  }
0xb8: {  	s3 =	sand.u32 $0x4000, s31;
	s1 =	sadd.s32 s1, s30  }
0xb9: {  	s0 =	sor.u32 s3, s0;
	s1 =	sshll.u32 s1, $0x11  }
0xba: {  	s0 =	sor.u32 s1, s0  }
0xbb: {  	s0 =	sadd.s32 $0x8F2B, s0  }
0xbc: {  	[sflag:s0] =	ssyncadd.remote.s32 $0x1  }
0xbd: {  	_ =	sfence.sel $0xFFFF  }
0xbe: {  	[dreg:$0x0] =	wrdreg $0xFFFFFFFF;
	(pc) =	sbr.abs _section_cstart, $3  }
0xbf: {  	[dreg:$0x1] =	wrdreg $0xFFFFFFFF  }
0xc0: {  	_ =	task.clear_ibuf [dreg:s6], $0x2FFFF;
	_ =	strace $0x9FFFFFFF  }
0xc1: {  	(tm) =	ssettm $0x7FFFFFFF  }
tec
execute0_lowered:
.L_overlay_start_1:
0x0: {  	(tag) =	ssettag $0x1  }
0x1: {  	s4 =	rddreg [dreg:$0x0]  }
0x2: {  	s0 =	rddreg [dreg:$0x1]  }
0x3: {  	s3 =	srdreg.scid;
	s1 =	stileid.u32  }
0x4: {  	s2 =	simm.s32 $0x0;
	s12 =	simm.s32 $0x1;
	s13 =	simm.s32 $0x2  }
0x5: {  	s14 =	simm.s32 $0x0;
	s5 =	sand.u32 $0x1, s3;
	s7 =	smul.u32 $0x3400, s1  }
0x6: {  	s28 =	sshll.u32 s1, $0x1;
	[smem:$0x7FF] =	sst s2;
	s11 =	smul.u32 $0x1A000, s1  }
0x7: {  	s10 =	sadd.s32 $0x7600, s4;
	s3 =	sor.u32 s5, s28;
	s9 =	smul.u32 $0x1A00, s5  }
0x8: {  	_ =	strace $0x80000047;
	s8 =	ssub.s32 $0x2, s5;
	s30 =	smul.u32 $0xD000, s5  }
0x9: {  	s6 =	smul.u32 $0x1A00, s3;
	s3 =	sadd.s32 $0xF43200, s4;
	s29 =	sshrl.u32 s8, $0x1  }
0xa: {  	s31 =	sadd.s32 s11, s10;
	s11 =	simm.s32 $0x3A00;
	s8 =	ssub.s32 s8, s29  }
0xb: {  	s7 =	sadd.s32 s9, s7;
	s9 =	simm.s32 $0x80;
	s6 =	sshrl.u32 s6, $0x3  }
0xc: {  	s7 =	sshll.u32 s7, $0x3;
	s5 =	smax.u32 s8, $0x1;
	s8 =	simm.s32 $0x3  }
0xd: {  	s6 =	sadd.s32 s6, s4;
	s7 =	sadd.s32 s7, s10;
	s10 =	simm.s32 $0x1A00  }
0xe: {  	s4 =	sadd.s32 $0xE00, s6;
	s6 =	sadd.s32 s30, s31;
	s7 =	sadd.s32 $0x400, s7  }
.LBB2_1:
0xf: {  	[tilespmem:s2], [sflag:$0x3] =	stream.linear.gather [hbm4b:s4+s2], $0x1A00, $0x38;
	[tilespmem:$0x5A00] =	vst v63  }
0x10: {  	_ =	swait.ge [sflag:s8], $0x1A00  }
0x11: {  	[sflag:s8] =	ssyncset.done $0x0  }
0x12: {  	[sflag:s8] =	ssyncadd.s32 $0xFFFFE600  }
0x13: {  	[tilespmem:s10], [sflag:$0x1] =	stream.indirect.gather [hbm4b:s3+s9], $0x40, s2, s9, $0xb8;
	[tilespmem:$0x5A00] =	vst v63  }
0x14: {  	s15 =	simm.s32 $0x80  }
0x15: {  	[tilespmem:s11], [sflag:$0x2] =	stream.indirect.gather [hbm4b:s3+s9], $0x40, s15, s9, $0xb8;
	[tilespmem:$0x5A00] =	vst v63  }
0x16: {  	_ =	swait.ge [sflag:s12], $0x2000  }
0x17: {  	[sflag:s12] =	ssyncset.done $0x0  }
0x18: {  	s30 =	sadd.s32 $0x0, s6;
	[sflag:s12] =	ssyncadd.s32 $0xFFFFE000  }
0x19: {  	[hbm4b:s30+s2] =	stream.linear.scatter [tilespmem:s10], [sflag:$0x3], $0x2000, $0x38;
	[tilespmem:$0x5A00] =	vst v63  }
0x1a: {  	_ =	swait.ge [sflag:s8], $0x2000  }
0x1b: {  	[sflag:s8] =	ssyncset.done $0x0  }
0x1c: {  	[sflag:s8] =	ssyncadd.s32 $0xFFFFE000  }
0x1d: {  	_ =	swait.ge [sflag:s13], $0x2000  }
0x1e: {  	[sflag:s13] =	ssyncset.done $0x0  }
0x1f: {  	s31 =	sadd.s32 $0x0, s7;
	[sflag:s13] =	ssyncadd.s32 $0xFFFFE000  }
0x20: {  	[hbm4b:s31+s2] =	stream.linear.scatter [tilespmem:s11], [sflag:$0x3], $0x2000, $0x38;
	[tilespmem:$0x5A00] =	vst v63  }
0x21: {  	_ =	swait.ge [sflag:s8], $0x2000  }
0x22: {  	s16 =	simm.s32 $0x0;
	s15 =	simm.s32 $0x800;
	[sflag:s8] =	ssyncset.done $0x0  }
.LBB2_2:
0x23: {  	p0 =	sne.s32 s15, $0xC800;
	[sflag:s8] =	ssyncadd.s32 $0xFFFFE000;
	s16 =	sadd.s32 $0x100, s16  }
0x24: {  	[tilespmem:s10], [sflag:$0x1] =	stream.indirect.gather [hbm4b:s3+s9], $0x40, s16, s9, $0xb8;
	[tilespmem:$0x5A00] =	vst v63  }
0x25: {  	s18 =	smov.u32 s15;
	s15 =	sadd.s32 $0x800, s15;
	s17 =	sadd.s32 $0x80, s16  }
0x26: {  	[tilespmem:s11], [sflag:$0x2] =	stream.indirect.gather [hbm4b:s3+s9], $0x40, s17, s9, $0xb8;
	[tilespmem:$0x5A00] =	vst v63  }
0x27: {  	_ =	swait.ge [sflag:s12], $0x2000  }
0x28: {  	[sflag:s12] =	ssyncset.done $0x0  }
0x29: {  	s17 =	sadd.s32 s18, s6;
	[sflag:s12] =	ssyncadd.s32 $0xFFFFE000  }
0x2a: {  	[hbm4b:s17+s2] =	stream.linear.scatter [tilespmem:s10], [sflag:$0x3], $0x2000, $0x38;
	[tilespmem:$0x5A00] =	vst v63  }
0x2b: {  	_ =	swait.ge [sflag:s8], $0x2000  }
0x2c: {  	[sflag:s8] =	ssyncset.done $0x0  }
0x2d: {  	[sflag:s8] =	ssyncadd.s32 $0xFFFFE000  }
0x2e: {  	_ =	swait.ge [sflag:s13], $0x2000  }
.Ltmp0:
0x2f: {  	[sflag:s13] =	ssyncset.done $0x0;
	(pc) =	sbr.rel @p0 .LBB2_2-.Ltmp0, $4  }
0x30: {  	s17 =	sadd.s32 s18, s7;
	[sflag:s13] =	ssyncadd.s32 $0xFFFFE000  }
0x31: {  	[hbm4b:s17+s2] =	stream.linear.scatter [tilespmem:s11], [sflag:$0x3], $0x2000, $0x38;
	[tilespmem:$0x5A00] =	vst v63  }
0x32: {  	_ =	swait.ge [sflag:s8], $0x2000  }
0x33: {  	[sflag:s8] =	ssyncset.done $0x0  }
0x34: {  	s14 =	sadd.s32 $0x1, s14  }
0x35: {  	p0 =	sne.s32 s14, s5  }
.Ltmp1:
0x36: {  	_ = 	snop;
	(pc) =	sbr.rel @p0 .LBB2_1-.Ltmp1, $2  }
0x37: {  	_ =	sdelay $0x2  }
0x38: {  	[sflag:s8] =	ssyncadd.s32 $0xFFFFE000  }
0x39: {  	_ =	sfence.sel $0x180000  }
0x3a: {  	[bflag:$0x0] =	sbarrier.arrive $0xFFFF  }
0x3b: {  	p0 =	sne.s32 s1, $0x0;
	_ =	strace $0x90000047  }
0x3c: {  	s0 =	sadd.s32 @!p0 $0x100000, s0;
	[bflag:$0x2] =	sbarrier.arrive $0xFFFF  }
0x3d: {  	[sflag:s0] =	ssyncadd.tile.s32 @!p0 $0x1;
	_ =	shalt  }
.Lfunc_end2:
_tile_overlayer_lowered:
.L_overlay_start_2:
0x3e: {  	(tag) =	ssettag $0x2  }
0x3f: {  	s0 =	rddreg [dreg:$0x0];
	s2 =	stileid.u32  }
0x40: {  	s1 =	rddreg [dreg:$0x1];
	p0 =	sne.s32 s2, $0x0  }
0x41: {  	s3 =	rddreg [dreg:$0x2];
	[bflag:$0x3] =	sbarrier.arrive $0xFFFF;
	s2 =	simm.s32 @!p0 $0x1C03  }
0x42: {  	[timem:s3], [sflag:s2] =	dma.local @!p0 [hbm:s0], s1  }
0x43: {  	s0 =	simm.s32 @!p0 $0x3  }
0x44: {  	_ =	swait.ge @!p0 [sflag:s0], s1  }
0x45: {  	s1 =	ssub.s32 @!p0 $0x0, s1;
	[sflag:s0] =	ssyncset.done @!p0 $0x0  }
0x46: {  	[sflag:s0] =	ssyncadd.s32 @!p0 s1  }
0x47: {  	[bflag:$0x3] =	sbarrier.arrive $0xFFFF  }
0x48: {  	_ =	shalt  }

</sc_bundles>
